<compile_context>
chip_gen: v7x
topology: tpu7x:2x2x1
jax: 0.10.2.dev20260603
libtpu: 0.0.44.dev20260713+nightly
codegen_flags: <defaults>
</compile_context>

<pallas_src>
import functools

import jax
import jax.numpy as jnp
from jax import lax
from jax.experimental import pallas as pl
from jax.experimental.pallas import tpu as pltpu
from jax.experimental.pallas import tpu_sc as plsc

_BT = 1024


def _argmin_body(z_ref, w_ref, idx_ref, loss_ref):
    t = pl.program_id(0)
    z = z_ref[...]
    w = w_ref[...]
    wn = w * (-2.0)
    p = lax.dot_general(z, wn, (((1,), (1,)), ((), ())),
                        preferred_element_type=jnp.float32)
    z2 = jnp.sum(z * z, axis=1, keepdims=True)
    w2 = jnp.sum(w * w, axis=1)
    d = (z2 + p) + w2[None, :]
    bmin = jnp.min(d, axis=1, keepdims=True)
    ii = lax.broadcasted_iota(jnp.int32, d.shape, 1).astype(jnp.float32)
    bidx = jnp.min(jnp.where(d == bmin, ii, jnp.float32(jnp.inf)),
                   axis=1, keepdims=True)
    idx_ref[...] = bidx.astype(jnp.int32).reshape(idx_ref.shape)
    s = jnp.sum(bmin)

    @pl.when(t == 0)
    def _():
        loss_ref[0, 0] = s

    @pl.when(t > 0)
    def _():
        loss_ref[0, 0] += s


def _argmin_call(z_flat, W):
    T, D = z_flat.shape
    BT = _BT
    B = T // BT
    K = W.shape[0]
    return pl.pallas_call(
        _argmin_body,
        grid=(B,),
        in_specs=[
            pl.BlockSpec((BT, D), lambda t: (t, 0)),
            pl.BlockSpec((K, D), lambda t: (0, 0)),
        ],
        out_specs=[
            pl.BlockSpec((BT,), lambda t: (t,)),
            pl.BlockSpec((1, 1), lambda t: (0, 0),
                         memory_space=pltpu.SMEM),
        ],
        out_shape=[
            jax.ShapeDtypeStruct((B * BT,), jnp.int32),
            jax.ShapeDtypeStruct((1, 1), jnp.float32),
        ],
    )(z_flat, W)


def _gather_rows(W, idx):
    info = plsc.get_sparse_core_info()
    nw = info.num_cores * info.num_subcores
    T = idx.shape[0]
    D = W.shape[1]
    bpw = T // nw
    nch = bpw // 128
    idx2 = idx.reshape(nw * nch, 128)
    mesh = plsc.VectorSubcoreMesh(core_axis_name="c", subcore_axis_name="s")

    @functools.partial(
        pl.kernel, mesh=mesh,
        out_type=jax.ShapeDtypeStruct((T, D), jnp.float32),
        scratch_types=[
            pltpu.VMEM((nch, 128), jnp.int32),
            pltpu.VMEM((bpw, D), jnp.float32),
            pltpu.SemaphoreType.DMA,
        ],
    )
    def gk(table_hbm, idx_hbm, out_hbm, idx_v, rows_v, sem):
        wid = lax.axis_index("s") * info.num_cores + lax.axis_index("c")
        pltpu.sync_copy(idx_hbm.at[pl.ds(wid * nch, nch)], idx_v)
        cps = [
            pltpu.async_copy(table_hbm.at[idx_v.at[j]],
                             rows_v.at[pl.ds(j * 128, 128)], sem)
            for j in range(nch)
        ]
        for cp in cps:
            cp.wait()
        pltpu.sync_copy(rows_v, out_hbm.at[pl.ds(wid * bpw, bpw)])

    return gk(W, idx2)


def kernel(z_e, W):
    B, C, H, Wd = z_e.shape
    z_flat = jnp.transpose(z_e, (0, 2, 3, 1)).reshape(-1, C)
    half = z_flat.shape[0] // 2
    idx_a, loss_a = _argmin_call(z_flat[:half], W)
    z_q_a = _gather_rows(W, idx_a)
    idx_b, loss_b = _argmin_call(z_flat[half:], W)
    z_q_b = _gather_rows(W, idx_b)
    idx_flat = jnp.concatenate([idx_a, idx_b])
    loss_sum = loss_a + loss_b
    z_q_flat = jnp.concatenate([z_q_a, z_q_b], axis=0)
    z_q = jnp.transpose(z_q_flat.reshape(B, H, Wd, C), (0, 3, 1, 2))
    mean_sq = loss_sum[0, 0] / (B * C * H * Wd)
    vq_loss = mean_sq + 0.25 * mean_sq
    z_q_st = z_e + lax.stop_gradient(z_q - z_e)
    return z_q_st, vq_loss, idx_flat.reshape(B, H, Wd)

# --- scband reference (transcript-rebuilt; emitter-appended) ---
"""Pipeline reference for scband-vector-quantizer-8718783611237 (READ-ONLY COPY).

The authoritative reference and input builder live on the scoring server;
editing this copy changes nothing except your own understanding.
"""

import jax, jax.numpy as jnp
import numpy as np

NUM_EMBEDDINGS = 8192
EMBEDDING_DIM = 256
COMMITMENT_COST = 0.25


def setup_inputs(seed: int = 0) -> dict:
    key = jax.random.key(seed)
    k1, k2 = jax.random.split(key)
    z_e = jax.random.normal(k1, (8, 256, 32, 32), dtype=jnp.float32)
    # embedding table initialized uniform(-1/K, 1/K), as in torch module
    W = jax.random.uniform(
        k2, (NUM_EMBEDDINGS, EMBEDDING_DIM), dtype=jnp.float32,
        minval=-1.0 / NUM_EMBEDDINGS, maxval=1.0 / NUM_EMBEDDINGS)
    return {"z_e": z_e, "W": W}


def reference(z_e, W):
    B, C, H, Wd = z_e.shape
    # permute(0,2,3,1).reshape(-1, C)
    z_flat = jnp.transpose(z_e, (0, 2, 3, 1)).reshape(-1, C)
    # squared L2 distances to codebook entries
    distances = (
        jnp.sum(z_flat ** 2, axis=1, keepdims=True)
        - 2.0 * (z_flat @ W.T)
        + jnp.sum(W ** 2, axis=1, keepdims=True).T
    )
    indices = jnp.argmin(distances, axis=1)
    z_q = jnp.take(W, indices, axis=0).reshape(B, H, Wd, C)
    z_q = jnp.transpose(z_q, (0, 3, 1, 2))
    codebook_loss = jnp.mean((z_q - jax.lax.stop_gradient(z_e)) ** 2)
    commitment_loss = jnp.mean((z_e - jax.lax.stop_gradient(z_q)) ** 2)
    vq_loss = codebook_loss + COMMITMENT_COST * commitment_loss
    z_q_st = z_e + jax.lax.stop_gradient(z_q - z_e)
    return (z_q_st, vq_loss, indices.reshape(B, H, Wd))

if __name__ == "__main__":
    import jax
    _d = setup_inputs()
    print(jax.jit(kernel)(*tuple(_d.values())))

</pallas_src>

<mosaic_0001>
#map = affine_map<(d0, d1) -> (0, 0)>
module attributes {stable_mosaic.version = 14 : i64} {
  func.func @gk(%arg0: i32, %arg1: i32, %arg2: memref<8192x256xf32, #tpu.memory_space<hbm>>, %arg3: memref<32x128xi32, #tpu.memory_space<hbm>>, %arg4: memref<4096x256xf32, #tpu.memory_space<hbm>>, %arg5: memref<1x128xi32, #tpu.memory_space<vmem>>, %arg6: memref<128x256xf32, #tpu.memory_space<vmem>>, %arg7: memref<!tpu.dma_semaphore, #tpu.memory_space<semaphore_mem>>) attributes {dimension_semantics = [#tpu.dimension_semantics<core_parallel>, #tpu.dimension_semantics<subcore_parallel>], iteration_bounds = array<i64: 2, 16>, scalar_prefetch = 0 : i64, scratch_operands = 3 : i64, tpu.core_type = #tpu.core_type<sc_vector_subcore>, window_params = [{transform_indices = #map}, {transform_indices = #map}, {transform_indices = #map}]} {
    %mul3A = arith.constant 2 : i32
    %mul3A_0 = arith.muli %arg1, %mul3A : i32
    %add3A = arith.addi %mul3A_0, %arg0 : i32
    %mul3A_1 = arith.constant 1 : i32
    %mul3A_2 = arith.muli %add3A, %mul3A_1 : i32
    "tpu.region"() ({
      %run_scoped3A = tpu.sem_alloc : memref<!tpu.dma_semaphore, #tpu.memory_space<semaphore_mem>>
      %dma_start3A_23 = arith.constant 0 : i32
      %dma_start3A_24 = tpu.memref_slice %arg3[%mul3A_2, %dma_start3A_23] : memref<32x128xi32, #tpu.memory_space<hbm>> -> memref<1x128xi32, #tpu.memory_space<hbm>>
      %dma_start3A_25 = arith.constant 0 : i32
      %dma_start3A_26 = tpu.memref_slice %arg3[%mul3A_2, %dma_start3A_25] : memref<32x128xi32, #tpu.memory_space<hbm>> -> memref<1x128xi32, #tpu.memory_space<hbm>>
      tpu.enqueue_dma source(%dma_start3A_26 : memref<1x128xi32, #tpu.memory_space<hbm>>) target(%arg5 : memref<1x128xi32, #tpu.memory_space<vmem>>) target_semaphore(%run_scoped3A : memref<!tpu.dma_semaphore, #tpu.memory_space<semaphore_mem>>)
      %dma_wait3A_27 = arith.constant 0 : i32
      %dma_wait3A_28 = tpu.memref_slice %arg3[%mul3A_2, %dma_wait3A_27] : memref<32x128xi32, #tpu.memory_space<hbm>> -> memref<1x128xi32, #tpu.memory_space<hbm>>
      %dma_wait3A_29 = arith.constant 0 : i32
      %dma_wait3A_30 = tpu.memref_slice %arg3[%mul3A_2, %dma_wait3A_29] : memref<32x128xi32, #tpu.memory_space<hbm>> -> memref<1x128xi32, #tpu.memory_space<hbm>>
      tpu.wait_dma2 semaphore(%run_scoped3A : memref<!tpu.dma_semaphore, #tpu.memory_space<semaphore_mem>>) src(%dma_wait3A_30 : memref<1x128xi32, #tpu.memory_space<hbm>>) dst(%arg5 : memref<1x128xi32, #tpu.memory_space<vmem>>)
      tpu.yield
    }) : () -> ()
    %dma_start3A = arith.constant 0 : i32
    %dma_start3A_3 = arith.constant 0 : i32
    %dma_start3A_4 = arith.constant 0 : i32
    %dma_start3A_5 = tpu.memref_slice %arg6[%dma_start3A_3, %dma_start3A_4] : memref<128x256xf32, #tpu.memory_space<vmem>> -> memref<128x256xf32, #tpu.memory_space<vmem>>
    %dma_start3A_6 = arith.constant 0 : i32
    %dma_start3A_7 = tpu.memref_slice %arg5[%dma_start3A, %dma_start3A_6] : memref<1x128xi32, #tpu.memory_space<vmem>> -> memref<1x128xi32, #tpu.memory_space<vmem>>
    %dma_start3A_8 = tpu.memref_squeeze %dma_start3A_7 : memref<1x128xi32, #tpu.memory_space<vmem>> -> memref<128xi32, #tpu.memory_space<vmem>>
    %dma_start3A_9 = arith.constant 0 : i32
    %dma_start3A_10 = arith.constant 0 : i32
    %dma_start3A_11 = tpu.memref_slice %arg2[%dma_start3A_9, %dma_start3A_10] : memref<8192x256xf32, #tpu.memory_space<hbm>> -> memref<8192x256xf32, #tpu.memory_space<hbm>>
    tpu.enqueue_indirect_dma source(%dma_start3A_11 : memref<8192x256xf32, #tpu.memory_space<hbm>>) target(%dma_start3A_5 : memref<128x256xf32, #tpu.memory_space<vmem>>) offsets(%dma_start3A_8 : memref<128xi32, #tpu.memory_space<vmem>>) semaphore(%arg7 : memref<!tpu.dma_semaphore, #tpu.memory_space<semaphore_mem>>)
    %dma_wait3A = arith.constant 0 : i32
    %dma_wait3A_12 = arith.constant 0 : i32
    %dma_wait3A_13 = arith.constant 0 : i32
    %dma_wait3A_14 = tpu.memref_slice %arg6[%dma_wait3A_12, %dma_wait3A_13] : memref<128x256xf32, #tpu.memory_space<vmem>> -> memref<128x256xf32, #tpu.memory_space<vmem>>
    %dma_wait3A_15 = arith.constant 0 : i32
    %dma_wait3A_16 = tpu.memref_slice %arg5[%dma_wait3A, %dma_wait3A_15] : memref<1x128xi32, #tpu.memory_space<vmem>> -> memref<1x128xi32, #tpu.memory_space<vmem>>
    %dma_wait3A_17 = tpu.memref_squeeze %dma_wait3A_16 : memref<1x128xi32, #tpu.memory_space<vmem>> -> memref<128xi32, #tpu.memory_space<vmem>>
    %dma_wait3A_18 = arith.constant 0 : i32
    %dma_wait3A_19 = arith.constant 0 : i32
    %dma_wait3A_20 = tpu.memref_slice %arg2[%dma_wait3A_18, %dma_wait3A_19] : memref<8192x256xf32, #tpu.memory_space<hbm>> -> memref<8192x256xf32, #tpu.memory_space<hbm>>
    tpu.wait_indirect_dma semaphore(%arg7 : memref<!tpu.dma_semaphore, #tpu.memory_space<semaphore_mem>>) src(%dma_wait3A_20 : memref<8192x256xf32, #tpu.memory_space<hbm>>) dst(%dma_wait3A_14 : memref<128x256xf32, #tpu.memory_space<vmem>>)
    %mul3A_21 = arith.constant 128 : i32
    %mul3A_22 = arith.muli %add3A, %mul3A_21 : i32
    "tpu.region"() ({
      %run_scoped3A = tpu.sem_alloc : memref<!tpu.dma_semaphore, #tpu.memory_space<semaphore_mem>>
      %dma_start3A_23 = arith.constant 0 : i32
      %dma_start3A_24 = tpu.memref_slice %arg4[%mul3A_22, %dma_start3A_23] : memref<4096x256xf32, #tpu.memory_space<hbm>> -> memref<128x256xf32, #tpu.memory_space<hbm>>
      %dma_start3A_25 = arith.constant 0 : i32
      %dma_start3A_26 = tpu.memref_slice %arg4[%mul3A_22, %dma_start3A_25] : memref<4096x256xf32, #tpu.memory_space<hbm>> -> memref<128x256xf32, #tpu.memory_space<hbm>>
      tpu.enqueue_dma source(%arg6 : memref<128x256xf32, #tpu.memory_space<vmem>>) target(%dma_start3A_26 : memref<128x256xf32, #tpu.memory_space<hbm>>) target_semaphore(%run_scoped3A : memref<!tpu.dma_semaphore, #tpu.memory_space<semaphore_mem>>)
      %dma_wait3A_27 = arith.constant 0 : i32
      %dma_wait3A_28 = tpu.memref_slice %arg4[%mul3A_22, %dma_wait3A_27] : memref<4096x256xf32, #tpu.memory_space<hbm>> -> memref<128x256xf32, #tpu.memory_space<hbm>>
      %dma_wait3A_29 = arith.constant 0 : i32
      %dma_wait3A_30 = tpu.memref_slice %arg4[%mul3A_22, %dma_wait3A_29] : memref<4096x256xf32, #tpu.memory_space<hbm>> -> memref<128x256xf32, #tpu.memory_space<hbm>>
      tpu.wait_dma2 semaphore(%run_scoped3A : memref<!tpu.dma_semaphore, #tpu.memory_space<semaphore_mem>>) src(%arg6 : memref<128x256xf32, #tpu.memory_space<vmem>>) dst(%dma_wait3A_30 : memref<128x256xf32, #tpu.memory_space<hbm>>)
      tpu.yield
    }) : () -> ()
    return
  }
}

#map = affine_map<(d0, d1) -> (0, 0)>
module attributes {stable_mosaic.version = 14 : i64} {
  func.func @gk(%arg0: i32, %arg1: i32, %arg2: memref<8192x256xf32, #tpu.memory_space<hbm>>, %arg3: memref<32x128xi32, #tpu.memory_space<hbm>>, %arg4: memref<4096x256xf32, #tpu.memory_space<hbm>>, %arg5: memref<1x128xi32, #tpu.memory_space<vmem>>, %arg6: memref<128x256xf32, #tpu.memory_space<vmem>>, %arg7: memref<!tpu.dma_semaphore, #tpu.memory_space<semaphore_mem>>) attributes {dimension_semantics = [#tpu.dimension_semantics<core_parallel>, #tpu.dimension_semantics<subcore_parallel>], iteration_bounds = array<i64: 2, 16>, scalar_prefetch = 0 : i64, scratch_operands = 3 : i64, tpu.core_type = #tpu.core_type<sc_vector_subcore>, window_params = [{transform_indices = #map}, {transform_indices = #map}, {transform_indices = #map}]} {
    %mul3A = arith.constant 2 : i32
    %mul3A_0 = arith.muli %arg1, %mul3A : i32
    %add3A = arith.addi %mul3A_0, %arg0 : i32
    %mul3A_1 = arith.constant 1 : i32
    %mul3A_2 = arith.muli %add3A, %mul3A_1 : i32
    "tpu.region"() ({
      %run_scoped3A = tpu.sem_alloc : memref<!tpu.dma_semaphore, #tpu.memory_space<semaphore_mem>>
      %dma_start3A_23 = arith.constant 0 : i32
      %dma_start3A_24 = tpu.memref_slice %arg3[%mul3A_2, %dma_start3A_23] : memref<32x128xi32, #tpu.memory_space<hbm>> -> memref<1x128xi32, #tpu.memory_space<hbm>>
      %dma_start3A_25 = arith.constant 0 : i32
      %dma_start3A_26 = tpu.memref_slice %arg3[%mul3A_2, %dma_start3A_25] : memref<32x128xi32, #tpu.memory_space<hbm>> -> memref<1x128xi32, #tpu.memory_space<hbm>>
      tpu.enqueue_dma source(%dma_start3A_26 : memref<1x128xi32, #tpu.memory_space<hbm>>) target(%arg5 : memref<1x128xi32, #tpu.memory_space<vmem>>) target_semaphore(%run_scoped3A : memref<!tpu.dma_semaphore, #tpu.memory_space<semaphore_mem>>)
      %dma_wait3A_27 = arith.constant 0 : i32
      %dma_wait3A_28 = tpu.memref_slice %arg3[%mul3A_2, %dma_wait3A_27] : memref<32x128xi32, #tpu.memory_space<hbm>> -> memref<1x128xi32, #tpu.memory_space<hbm>>
      %dma_wait3A_29 = arith.constant 0 : i32
      %dma_wait3A_30 = tpu.memref_slice %arg3[%mul3A_2, %dma_wait3A_29] : memref<32x128xi32, #tpu.memory_space<hbm>> -> memref<1x128xi32, #tpu.memory_space<hbm>>
      tpu.wait_dma2 semaphore(%run_scoped3A : memref<!tpu.dma_semaphore, #tpu.memory_space<semaphore_mem>>) src(%dma_wait3A_30 : memref<1x128xi32, #tpu.memory_space<hbm>>) dst(%arg5 : memref<1x128xi32, #tpu.memory_space<vmem>>)
      tpu.yield
    }) : () -> ()
    %dma_start3A = arith.constant 0 : i32
    %dma_start3A_3 = arith.constant 0 : i32
    %dma_start3A_4 = arith.constant 0 : i32
    %dma_start3A_5 = tpu.memref_slice %arg6[%dma_start3A_3, %dma_start3A_4] : memref<128x256xf32, #tpu.memory_space<vmem>> -> memref<128x256xf32, #tpu.memory_space<vmem>>
    %dma_start3A_6 = arith.constant 0 : i32
    %dma_start3A_7 = tpu.memref_slice %arg5[%dma_start3A, %dma_start3A_6] : memref<1x128xi32, #tpu.memory_space<vmem>> -> memref<1x128xi32, #tpu.memory_space<vmem>>
    %dma_start3A_8 = tpu.memref_squeeze %dma_start3A_7 : memref<1x128xi32, #tpu.memory_space<vmem>> -> memref<128xi32, #tpu.memory_space<vmem>>
    %dma_start3A_9 = arith.constant 0 : i32
    %dma_start3A_10 = arith.constant 0 : i32
    %dma_start3A_11 = tpu.memref_slice %arg2[%dma_start3A_9, %dma_start3A_10] : memref<8192x256xf32, #tpu.memory_space<hbm>> -> memref<8192x256xf32, #tpu.memory_space<hbm>>
    tpu.enqueue_indirect_dma source(%dma_start3A_11 : memref<8192x256xf32, #tpu.memory_space<hbm>>) target(%dma_start3A_5 : memref<128x256xf32, #tpu.memory_space<vmem>>) offsets(%dma_start3A_8 : memref<128xi32, #tpu.memory_space<vmem>>) semaphore(%arg7 : memref<!tpu.dma_semaphore, #tpu.memory_space<semaphore_mem>>)
    %dma_wait3A = arith.constant 0 : i32
    %dma_wait3A_12 = arith.constant 0 : i32
    %dma_wait3A_13 = arith.constant 0 : i32
    %dma_wait3A_14 = tpu.memref_slice %arg6[%dma_wait3A_12, %dma_wait3A_13] : memref<128x256xf32, #tpu.memory_space<vmem>> -> memref<128x256xf32, #tpu.memory_space<vmem>>
    %dma_wait3A_15 = arith.constant 0 : i32
    %dma_wait3A_16 = tpu.memref_slice %arg5[%dma_wait3A, %dma_wait3A_15] : memref<1x128xi32, #tpu.memory_space<vmem>> -> memref<1x128xi32, #tpu.memory_space<vmem>>
    %dma_wait3A_17 = tpu.memref_squeeze %dma_wait3A_16 : memref<1x128xi32, #tpu.memory_space<vmem>> -> memref<128xi32, #tpu.memory_space<vmem>>
    %dma_wait3A_18 = arith.constant 0 : i32
    %dma_wait3A_19 = arith.constant 0 : i32
    %dma_wait3A_20 = tpu.memref_slice %arg2[%dma_wait3A_18, %dma_wait3A_19] : memref<8192x256xf32, #tpu.memory_space<hbm>> -> memref<8192x256xf32, #tpu.memory_space<hbm>>
    tpu.wait_indirect_dma semaphore(%arg7 : memref<!tpu.dma_semaphore, #tpu.memory_space<semaphore_mem>>) src(%dma_wait3A_20 : memref<8192x256xf32, #tpu.memory_space<hbm>>) dst(%dma_wait3A_14 : memref<128x256xf32, #tpu.memory_space<vmem>>)
    %mul3A_21 = arith.constant 128 : i32
    %mul3A_22 = arith.muli %add3A, %mul3A_21 : i32
    "tpu.region"() ({
      %run_scoped3A = tpu.sem_alloc : memref<!tpu.dma_semaphore, #tpu.memory_space<semaphore_mem>>
      %dma_start3A_23 = arith.constant 0 : i32
      %dma_start3A_24 = tpu.memref_slice %arg4[%mul3A_22, %dma_start3A_23] : memref<4096x256xf32, #tpu.memory_space<hbm>> -> memref<128x256xf32, #tpu.memory_space<hbm>>
      %dma_start3A_25 = arith.constant 0 : i32
      %dma_start3A_26 = tpu.memref_slice %arg4[%mul3A_22, %dma_start3A_25] : memref<4096x256xf32, #tpu.memory_space<hbm>> -> memref<128x256xf32, #tpu.memory_space<hbm>>
      tpu.enqueue_dma source(%arg6 : memref<128x256xf32, #tpu.memory_space<vmem>>) target(%dma_start3A_26 : memref<128x256xf32, #tpu.memory_space<hbm>>) target_semaphore(%run_scoped3A : memref<!tpu.dma_semaphore, #tpu.memory_space<semaphore_mem>>)
      %dma_wait3A_27 = arith.constant 0 : i32
      %dma_wait3A_28 = tpu.memref_slice %arg4[%mul3A_22, %dma_wait3A_27] : memref<4096x256xf32, #tpu.memory_space<hbm>> -> memref<128x256xf32, #tpu.memory_space<hbm>>
      %dma_wait3A_29 = arith.constant 0 : i32
      %dma_wait3A_30 = tpu.memref_slice %arg4[%mul3A_22, %dma_wait3A_29] : memref<4096x256xf32, #tpu.memory_space<hbm>> -> memref<128x256xf32, #tpu.memory_space<hbm>>
      tpu.wait_dma2 semaphore(%run_scoped3A : memref<!tpu.dma_semaphore, #tpu.memory_space<semaphore_mem>>) src(%arg6 : memref<128x256xf32, #tpu.memory_space<vmem>>) dst(%dma_wait3A_30 : memref<128x256xf32, #tpu.memory_space<hbm>>)
      tpu.yield
    }) : () -> ()
    return
  }
}

module attributes {stable_mosaic.version = 14 : i64} {
  func.func @_argmin_body(%arg0: i32, %arg1: memref<1024x256xf32, #tpu.memory_space<vmem>>, %arg2: memref<8192x256xf32, #tpu.memory_space<vmem>>, %arg3: memref<1024xi32, #tpu.memory_space<vmem>>, %arg4: memref<1x1xf32, #tpu.memory_space<smem>>) attributes {dimension_semantics = [#tpu.dimension_semantics<arbitrary>], iteration_bounds = array<i64: 4>, scalar_prefetch = 0 : i64, scratch_operands = 0 : i64, tpu.core_type = #tpu.core_type<tc>, window_params = [{transform_indices = @transform_0, window_bounds = array<i64: 1024, 256>}, {pipeline_mode = #tpu.pipeline_mode<synchronous>, transform_indices = @transform_1, window_bounds = array<i64: 8192, 256>}, {transform_indices = @transform_2, window_bounds = array<i64: 1024>}, {transform_indices = @transform_3, window_bounds = array<i64: 1, 1>}]} {
    %get3A = arith.constant 0 : index
    %get3A_0 = arith.constant 0 : index
    %get3A_1 = vector.load %arg1[%get3A, %get3A_0] : memref<1024x256xf32, #tpu.memory_space<vmem>>, vector<1024x256xf32>
    %get3A_2 = arith.constant 0 : index
    %get3A_3 = arith.constant 0 : index
    %get3A_4 = vector.load %arg2[%get3A_2, %get3A_3] : memref<8192x256xf32, #tpu.memory_space<vmem>>, vector<8192x256xf32>
    %mul3A = arith.constant -2.000000e+00 : f32
    %mul3A_5 = vector.broadcast %mul3A : f32 to vector<8192x256xf32>
    %mul3A_6 = arith.mulf %get3A_4, %mul3A_5 : vector<8192x256xf32>
    %dot_general3A = arith.constant dense<0.000000e+00> : vector<1024x8192xf32>
    %dot_general3A_7 = tpu.matmul %get3A_1, %mul3A_6, %dot_general3A {dimension_numbers = #tpu.dot_dimension_numbers<[1], [1], [0], [0], [0, 0, 1, 0], [], []>, transpose_lhs_hint = false} : vector<1024x256xf32>, vector<8192x256xf32>, vector<1024x8192xf32> -> vector<1024x8192xf32>
    %mul3A_8 = arith.mulf %get3A_1, %get3A_1 : vector<1024x256xf32>
    %reduce_sum3A = arith.constant dense<0.000000e+00> : vector<1024xf32>
    %reduce_sum3A_9 = vector.multi_reduction <add>, %mul3A_8, %reduce_sum3A [1] : vector<1024x256xf32> to vector<1024xf32>
    %broadcast_in_dim3A = vector.shape_cast %reduce_sum3A_9 : vector<1024xf32> to vector<1024x1xf32>
    %mul3A_10 = arith.mulf %get3A_4, %get3A_4 : vector<8192x256xf32>
    %reduce_sum3A_11 = arith.constant dense<0.000000e+00> : vector<8192xf32>
    %reduce_sum3A_12 = vector.multi_reduction <add>, %mul3A_10, %reduce_sum3A_11 [1] : vector<8192x256xf32> to vector<8192xf32>
    %add3A = vector.broadcast %broadcast_in_dim3A : vector<1024x1xf32> to vector<1024x8192xf32>
    %add3A_13 = arith.addf %add3A, %dot_general3A_7 : vector<1024x8192xf32>
    %broadcast_in_dim3A_14 = vector.shape_cast %reduce_sum3A_12 : vector<8192xf32> to vector<1x8192xf32>
    %add3A_15 = vector.broadcast %broadcast_in_dim3A_14 : vector<1x8192xf32> to vector<1024x8192xf32>
    %add3A_16 = arith.addf %add3A_13, %add3A_15 : vector<1024x8192xf32>
    %reduce_min3A = arith.constant dense<0x7F800000> : vector<1024xf32>
    %reduce_min3A_17 = vector.multi_reduction <minimumf>, %add3A_16, %reduce_min3A [1] : vector<1024x8192xf32> to vector<1024xf32>
    %broadcast_in_dim3A_18 = vector.shape_cast %reduce_min3A_17 : vector<1024xf32> to vector<1024x1xf32>
    %iota3A = tpu.iota {dimensions = array<i32: 1>} : vector<1024x8192xi32>
    %convert_element_type3A = arith.sitofp %iota3A : vector<1024x8192xi32> to vector<1024x8192xf32>
    %eq3A = vector.broadcast %broadcast_in_dim3A_18 : vector<1024x1xf32> to vector<1024x8192xf32>
    %eq3A_19 = arith.cmpf oeq, %add3A_16, %eq3A : vector<1024x8192xf32>
    %jit3A = arith.constant 0x7F800000 : f32
    %broadcast_in_dim3A_20 = vector.broadcast %jit3A : f32 to vector<1024x8192xf32>
    %select_n3A = arith.select %eq3A_19, %convert_element_type3A, %broadcast_in_dim3A_20 : vector<1024x8192xi1>, vector<1024x8192xf32>
    %reduce_min3A_21 = arith.constant dense<0x7F800000> : vector<1024xf32>
    %reduce_min3A_22 = vector.multi_reduction <minimumf>, %select_n3A, %reduce_min3A_21 [1] : vector<1024x8192xf32> to vector<1024xf32>
    %broadcast_in_dim3A_23 = vector.shape_cast %reduce_min3A_22 : vector<1024xf32> to vector<1024x1xf32>
    %convert_element_type3A_24 = arith.fptosi %broadcast_in_dim3A_23 : vector<1024x1xf32> to vector<1024x1xi32>
    %reshape3A = vector.shape_cast %convert_element_type3A_24 : vector<1024x1xi32> to vector<1024xi32>
    %swap3A = arith.constant 0 : index
    %swap3A_25 = vector.load %arg3[%swap3A] : memref<1024xi32, #tpu.memory_space<vmem>>, vector<1024xi32>
    tpu.vector_store %arg3[%swap3A], %reshape3A {strides = array<i32>} : memref<1024xi32, #tpu.memory_space<vmem>>, vector<1024xi32>,
    %reduce_sum3A_26 = vector.shape_cast %broadcast_in_dim3A_18 : vector<1024x1xf32> to vector<1x1024x1xf32>
    %reduce_sum3A_27 = arith.constant dense<0.000000e+00> : vector<1xf32>
    %reduce_sum3A_28 = vector.multi_reduction <add>, %reduce_sum3A_26, %reduce_sum3A_27 [1, 2] : vector<1x1024x1xf32> to vector<1xf32>
    %reduce_sum3A_29 = vector.shape_cast %reduce_sum3A_28 : vector<1xf32> to vector<1x1x1xf32>
    %reduce_sum3A_30 = vector.extract %reduce_sum3A_29[0, 0, 0] : f32 from vector<1x1x1xf32>
    %eq3A_31 = arith.constant 0 : i32
    %eq3A_32 = arith.cmpi eq, %arg0, %eq3A_31 : i32
    %convert_element_type3A_33 = arith.extui %eq3A_32 : i1 to i32
    %cond3A = arith.constant 0 : i32
    %cond3A_34 = arith.cmpi ne, %convert_element_type3A_33, %cond3A : i32
    scf.if %cond3A_34 {
      %swap3A_39 = arith.constant 0 : index
      %swap3A_40 = arith.constant 0 : index
      %swap3A_41 = memref.load %arg4[%swap3A_39, %swap3A_40] : memref<1x1xf32, #tpu.memory_space<smem>>
      memref.store %reduce_sum3A_30, %arg4[%swap3A_39, %swap3A_40] : memref<1x1xf32, #tpu.memory_space<smem>>
    } else {
    }
    %gt3A = arith.constant 0 : i32
    %gt3A_35 = arith.cmpi sgt, %arg0, %gt3A : i32
    %convert_element_type3A_36 = arith.extui %gt3A_35 : i1 to i32
    %cond3A_37 = arith.constant 0 : i32
    %cond3A_38 = arith.cmpi ne, %convert_element_type3A_36, %cond3A_37 : i32
    scf.if %cond3A_38 {
      %get3A_39 = arith.constant 0 : index
      %get3A_40 = arith.constant 0 : index
      %get3A_41 = memref.load %arg4[%get3A_39, %get3A_40] : memref<1x1xf32, #tpu.memory_space<smem>>
      %add3A_42 = arith.addf %get3A_41, %reduce_sum3A_30 : f32
      %swap3A_43 = arith.constant 0 : index
      %swap3A_44 = arith.constant 0 : index
      %swap3A_45 = memref.load %arg4[%swap3A_43, %swap3A_44] : memref<1x1xf32, #tpu.memory_space<smem>>
      memref.store %add3A_42, %arg4[%swap3A_43, %swap3A_44] : memref<1x1xf32, #tpu.memory_space<smem>>
    } else {
    }
    return
  }
  func.func @transform_0(%arg0: i32) -> (i32, i32) {
    %c0_i32 = arith.constant 0 : i32
    %c0_i32_0 = arith.constant 0 : i32
    return %arg0, %c0_i32 : i32, i32
  }
  func.func @transform_1(%arg0: i32) -> (i32, i32) {
    %c0_i32 = arith.constant 0 : i32
    %c0_i32_0 = arith.constant 0 : i32
    %c0_i32_1 = arith.constant 0 : i32
    return %c0_i32, %c0_i32_0 : i32, i32
  }
  func.func @transform_2(%arg0: i32) -> i32 {
    %c0_i32 = arith.constant 0 : i32
    return %arg0 : i32
  }
  func.func @transform_3(%arg0: i32) -> (i32, i32) {
    %c0_i32 = arith.constant 0 : i32
    %c0_i32_0 = arith.constant 0 : i32
    %c0_i32_1 = arith.constant 0 : i32
    return %c0_i32, %c0_i32_0 : i32, i32
  }
}

</mosaic_0001>

<sc_bundles>
// kernel: kernel.6.cloned.1.call-start
scs
__scs_entry_jumppad:
0x0: {  	(pc) =	sbr.rel $0x88, $3  }
0x1: {  	(tag) =	ssettag $0x0;
	lr =	simm.s32 $0x1  }
0x2: {  	[smem:$0x3F9F] =	sst lr;
	_ =	strace $0xD0000000  }
0x3: {  	_ = 	snop  }
0x4: {  	_ = 	snop  }
0x5: {  	_ = 	snop  }
0x6: {  	_ = 	snop  }
0x7: {  	_ = 	snop  }
__scs_overlays_trampoline_lowered:
0x8: {  	[smem:$0x3FAE] =	sst s0  }
0x9: {  	[smem:$0x3FAF] =	sst s1  }
0xa: {  	[smem:$0x3FB0] =	sst s2  }
0xb: {  	[smem:$0x3FB1] =	sst s3  }
0xc: {  	[smem:$0x3FB2] =	sst s4  }
0xd: {  	[smem:$0x3FB3] =	sst s5  }
0xe: {  	[smem:$0x3FB4] =	sst s6  }
0xf: {  	[smem:$0x3FB5] =	sst s7  }
0x10: {  	[smem:$0x3FB6] =	sst s8  }
0x11: {  	[smem:$0x3FB7] =	sst s9;
	s0 =	simm.s32 @!p0 $0x0  }
0x12: {  	s1 =	sld [smem:$0x3F9D];
	s0 =	simm.s32 @p0 $0x1  }
0x13: {  	[smem:$0x3FB8] =	sst s0;
	s0 =	simm.s32 @!p1 $0x0  }
0x14: {  	s2 =	sld [smem:$0x3F9C];
	s0 =	simm.s32 @p1 $0x1  }
0x15: {  	[smem:$0x3FB9] =	sst s0;
	s0 =	simm.s32 @!p2 $0x0  }
0x16: {  	s3 =	sld [smem:$0x3FDB];
	s0 =	simm.s32 @p2 $0x1  }
0x17: {  	s4 =	simm.s32 $0x1BF5;
	[smem:$0x3FBB] =	sst s0  }
0x18: {  	s0 =	sld [smem:$0x3F9E];
	_ =	swait.ge [sflag:s4], $0x0  }
0x19: {  	s7 =	sld [smem:$0x3F9F]  }
0x1a: {  	s8 =	sadd.s32 $0xFFFFE003, lr  }
0x1b: {  	s9 =	sadd.s32 $0xFFFFFEF7, lr;
	s5 =	simm.s32 $0xFFFFFFFF;
	p2 =	slt.u32 s8, $0xFFFFF086  }
0x1c: {  	p1 =	slt.u32 s9, $0xF7A;
	s5 =	simm.s32 @!p2 $0x0  }
0x1d: {  	s5 =	simm.s32 @p1 $0x1;
	p0 =	seq.s32 s7, s2  }
0x1e: {  	s7 =	smul.u32 @!p0 $0xF7A, s2;
	p2 =	seq.s32 @!p0 s5, $0x0  }
0x1f: {  	s9 =	smul.u32 $0xF7A, s1;
	s8 =	simm.s32 @!p0 $0x1BF5;
	p2 =	por !p2, p0  }
0x20: {  	[sflag:s8] =	ssyncset.s32 @!p0 $0xFFFFF086;
	s6 =	sadd.s32 @!p0 s3, s7;
	s7 =	simm.s32 @!p0 $0x108  }
0x21: {  	s3 =	sadd.s32 s3, s9;
	s6 =	sadd.s32 @!p0 $0x88, s6;
	s7 =	simm.s32 @p2 $0x1082  }
0x22: {  	[simem:s7], [sflag:s8] =	dma.local @!p0 [hbm:s6], $0xF7A  }
0x23: {  	s9 =	sor.u32 $0xD0000000, s2;
	s6 =	simm.s32 $0x108;
	_ =	swait.ge @!p0 [sflag:s8], $0x0  }
0x24: {  	s3 =	sadd.s32 $0x88, s3;
	s6 =	simm.s32 @!p1 $0x1082;
	[sflag:s4] =	ssyncset.s32 $0xFFFFF086  }
0x25: {  	[simem:s6], [sflag:s4] =	dma.local [hbm:s3], $0xF7A  }
0x26: {  	[smem:$0x3F9F] =	sst s1;
	(tag) =	ssettag s2;
	_ =	strace s9  }
0x27: {  	s1 =	sld [smem:$0x3FAF]  }
0x28: {  	s2 =	sld [smem:$0x3FB0]  }
0x29: {  	s4 =	sld [smem:$0x3FB2]  }
0x2a: {  	p0 =	seq.s32 s5, $0x0;
	s5 =	sld [smem:$0x3FB3]  }
0x2b: {  	s6 =	sld [smem:$0x3FB4]  }
0x2c: {  	s7 =	sld [smem:$0x3FB5]  }
0x2d: {  	s3 =	simm.s32 $0x108;
	s8 =	sld [smem:$0x3FB6]  }
0x2e: {  	s3 =	simm.s32 @!p0 $0x1082;
	s9 =	sld [smem:$0x3FB7]  }
0x2f: {  	lr =	sadd.s32 s0, s3;
	s0 =	sld [smem:$0x3FAE]  }
0x30: {  	s3 =	sld [smem:$0x3FB1]  }
0x31: {  	[smem:$0x3FBA] =	sst s10  }
0x32: {  	s10 =	sld [smem:$0x3FB8];
	_ =	sdelay $0x3  }
0x33: {  	p0 =	seq.s32 s10, $0x1;
	s10 =	sld [smem:$0x3FBA];
	_ =	sdelay $0x3  }
0x34: {  	[smem:$0x3FBA] =	sst s10  }
0x35: {  	s10 =	sld [smem:$0x3FB9];
	_ =	sdelay $0x3  }
0x36: {  	p1 =	seq.s32 s10, $0x1;
	s10 =	sld [smem:$0x3FBA];
	_ =	sdelay $0x3  }
0x37: {  	[smem:$0x3FBA] =	sst s10  }
0x38: {  	s10 =	sld [smem:$0x3FBB]  }
0x39: {  	_ = 	snop;
	(pc) =	sbr.ind lr, $3  }
0x3a: {  	_ = 	snop  }
0x3b: {  	_ = 	snop  }
0x3c: {  	p2 =	seq.s32 s10, $0x1;
	s10 =	sld [smem:$0x3FBA]  }
0x3d: {  	_ =	shalt  }
0x3e: {  	_ =	shalt  }
0x3f: {  	_ =	shalt  }
0x40: {  	_ =	shalt  }
0x41: {  	_ =	shalt  }
0x42: {  	_ =	shalt  }
0x43: {  	_ =	shalt  }
0x44: {  	_ =	shalt  }
0x45: {  	_ =	shalt  }
0x46: {  	_ =	shalt  }
0x47: {  	_ =	shalt  }
0x48: {  	_ =	shalt  }
0x49: {  	_ =	shalt  }
0x4a: {  	_ =	shalt  }
0x4b: {  	_ =	shalt  }
0x4c: {  	_ =	shalt  }
0x4d: {  	_ =	shalt  }
0x4e: {  	_ =	shalt  }
0x4f: {  	_ =	shalt  }
0x50: {  	_ =	shalt  }
0x51: {  	_ =	shalt  }
0x52: {  	_ =	shalt  }
0x53: {  	_ =	shalt  }
0x54: {  	_ =	shalt  }
0x55: {  	_ =	shalt  }
0x56: {  	_ =	shalt  }
0x57: {  	_ =	shalt  }
0x58: {  	_ =	shalt  }
0x59: {  	_ =	shalt  }
0x5a: {  	_ =	shalt  }
0x5b: {  	_ =	shalt  }
0x5c: {  	_ =	shalt  }
0x5d: {  	_ =	shalt  }
0x5e: {  	_ =	shalt  }
0x5f: {  	_ =	shalt  }
0x60: {  	_ =	shalt  }
0x61: {  	_ =	shalt  }
0x62: {  	_ =	shalt  }
0x63: {  	_ =	shalt  }
0x64: {  	_ =	shalt  }
0x65: {  	_ =	shalt  }
0x66: {  	_ =	shalt  }
0x67: {  	_ =	shalt  }
0x68: {  	_ =	shalt  }
0x69: {  	_ =	shalt  }
0x6a: {  	_ =	shalt  }
0x6b: {  	_ =	shalt  }
0x6c: {  	_ =	shalt  }
0x6d: {  	_ =	shalt  }
0x6e: {  	_ =	shalt  }
0x6f: {  	_ =	shalt  }
0x70: {  	_ =	shalt  }
0x71: {  	_ =	shalt  }
0x72: {  	_ =	shalt  }
0x73: {  	_ =	shalt  }
0x74: {  	_ =	shalt  }
0x75: {  	_ =	shalt  }
0x76: {  	_ =	shalt  }
0x77: {  	_ =	shalt  }
0x78: {  	_ =	shalt  }
0x79: {  	_ =	shalt  }
0x7a: {  	_ =	shalt  }
0x7b: {  	_ =	shalt  }
0x7c: {  	_ =	shalt  }
0x7d: {  	_ =	shalt  }
0x7e: {  	_ =	shalt  }
0x7f: {  	_ =	shalt  }
0x80: {  	_ =	shalt  }
0x81: {  	_ =	shalt  }
0x82: {  	_ =	shalt  }
0x83: {  	_ =	shalt  }
0x84: {  	_ =	shalt  }
0x85: {  	_ =	shalt  }
0x86: {  	_ =	shalt  }
0x87: {  	_ =	shalt  }
.Lfunc_end0:
.L_simem_size_0:
called_computation_lowered:
.L_overlay_start_0:
0x88: {  	s2 =	sld [smem:$0x3FD9]  }
0x89: {  	s3 =	sld [smem:$0x3FFE];
	_ =	sdelay $0x1  }
0x8a: {  	s1 =	srdreg.scid  }
0x8b: {  	s0 =	sand.u32 $0x1, s1  }
0x8c: {  	s17 =	sshll.u32 s0, $0xA;
	s2 =	sadd.s32 s3, s2  }
0x8d: {  	s2 =	sadd.s32 s2, s17  }
0x8e: {  	[smem:$0x3FC6] =	sst s2  }
0x8f: {  	_ = 	snop  }
0x90: {  	s2 =	sld [smem:$0x3FC8];
	(tm) =	ssettm $0x1  }
0x91: {  	s18 =	sld [smem:$0x3FFB];
	_ =	sdelay $0x3  }
0x92: {  	_ =	strace s18  }
0x93: {  	s3 =	sld [smem:$0x3FFC];
	_ =	sdelay $0x3  }
0x94: {  	_ =	strace s3  }
0x95: {  	s3 =	sld [smem:$0x3FFD];
	_ =	sdelay $0x3  }
0x96: {  	_ =	strace s3  }
0x97: {  	_ =	strace $0x8FFFFFFF  }
0x98: {  	s19 =	sld [smem:$0x3FDB];
	_ =	sdelay $0x1  }
0x99: {  	s4 =	simm.s32 $_scs_section_size  }
0x9a: {  	s5 =	simm.s32 $_size__tile_overlayer_lowered;
	s6 =	simm.s32 $_tile_overlayer_lowered  }
0x9b: {  	s22 =	simm.s32 $0x1BFF;
	s21 =	sshll.u32 s6, $0x1;
	s3 =	sadd.s32 s4, s19  }
0x9c: {  	s7 =	simm.s32 $0x0;
	s20 =	sshll.u32 s5, $0x1;
	s5 =	sadd.s32 s21, s3  }
0x9d: {  	[timem:s7], [sflag:s22] =	dma.local [hbm:s5], s20  }
0x9e: {  	_ =	swait.ge [sflag:s22], s20  }
0x9f: {  	s4 =	ssub.s32 $0x0, s20;
	[sflag:s22] =	ssyncset.done $0x0  }
0xa0: {  	[sflag:s22] =	ssyncadd.s32 s4;
	_ =	sdelay $0x1  }
0xa1: {  	s23 =	simm.s32 $0x1B8B  }
0xa2: {  	_ =	swait.ge [sflag:s23], $0x1  }
0xa3: {  	[sflag:s23] =	ssyncset.done $0x0  }
0xa4: {  	s25 =	simm.s32 $0x1B8E;
	s24 =	sld [smem:$0x3FFE];
	[sflag:s23] =	ssyncadd.s32 $0xFFFFFFFF  }
0xa5: {  	s26 =	simm.s32 $execute0_lowered;
	[smem:$0x3FD2] =	sst s25  }
0xa6: {  	s5 =	sshll.u32 s26, $0x1;
	_ =	strace $0x80000046;
	[dreg:$0x1] =	wrdreg $0xFFFFFFFF  }
0xa7: {  	s28 =	simm.s32 $_size_execute0_lowered;
	s3 =	sadd.s32 s3, s5;
	[dreg:$0x0] =	wrdreg $0x0  }
0xa8: {  	s5 =	sshll.u32 s28, $0x1;
	[dreg:$0x2] =	wrdreg s3  }
0xa9: {  	[dreg:$0x3] =	wrdreg s5  }
0xaa: {  	[dreg:$0x4] =	wrdreg $0xC0  }
0xab: {  	_ =	task [dreg:s7], $0x5FFFF  }
0xac: {  	[dreg:$0x1] =	wrdreg $0xFFFFFFFF  }
0xad: {  	[dreg:$0x0] =	wrdreg $0x60  }
0xae: {  	[dreg:$0x2] =	wrdreg s2  }
0xaf: {  	[dreg:$0x3] =	wrdreg s24  }
0xb0: {  	[dreg:$0x4] =	wrdreg $0x9  }
0xb1: {  	_ =	task.clear_ibuf [dreg:s7], $0x5FFFF;
	_ =	strace $0x90000046  }
0xb2: {  	s29 =	simm.s32 $0x9;
	_ =	strace $0x80000048  }
0xb3: {  	_ =	swait.ge [sflag:s29], $0x1  }
0xb4: {  	[sflag:s29] =	ssyncadd.s32 $0xFFFFFFFF  }
0xb5: {  	_ =	strace $0x90000048  }
0xb6: {  	_ =	sfence  }
0xb7: {  	s30 =	sld [smem:$0x0];
	_ =	sdelay $0x2  }
0xb8: {  	s31 =	sshll.u32 s1, $0xD;
	s1 =	sshrl.u32 s1, $0x2  }
0xb9: {  	s3 =	sand.u32 $0x4000, s31;
	s1 =	sadd.s32 s1, s30  }
0xba: {  	s0 =	sor.u32 s3, s0;
	s1 =	sshll.u32 s1, $0x11  }
0xbb: {  	s0 =	sor.u32 s1, s0  }
0xbc: {  	s0 =	sadd.s32 $0x8F2B, s0  }
0xbd: {  	[sflag:s0] =	ssyncadd.remote.s32 $0x1  }
0xbe: {  	_ =	sfence.sel $0xFFFF  }
0xbf: {  	[dreg:$0x0] =	wrdreg $0xFFFFFFFF;
	(pc) =	sbr.abs _section_cstart, $3  }
0xc0: {  	[dreg:$0x1] =	wrdreg $0xFFFFFFFF  }
0xc1: {  	_ =	task.clear_ibuf [dreg:s7], $0x2FFFF;
	_ =	strace $0x9FFFFFFF  }
0xc2: {  	(tm) =	ssettm $0x7FFFFFFF  }
0xc3: {  	_ =	shalt  }
tec
execute0_lowered:
.L_overlay_start_1:
0x0: {  	(tag) =	ssettag $0x1  }
0x1: {  	s1 =	rddreg [dreg:$0x0]  }
0x2: {  	s4 =	rddreg [dreg:$0x1]  }
0x3: {  	s0 =	rddreg [dreg:$0x2]  }
0x4: {  	s3 =	simm.s32 $0x0;
	s5 =	srdreg.scid;
	s2 =	stileid.u32  }
0x5: {  	s9 =	simm.s32 $0x880;
	s10 =	simm.s32 $0x1080;
	s11 =	simm.s32 $0x1880  }
0x6: {  	s12 =	simm.s32 $0x2080;
	s13 =	simm.s32 $0x2880;
	s14 =	simm.s32 $0x3080  }
0x7: {  	s15 =	simm.s32 $0x3880;
	s16 =	simm.s32 $0x4080;
	s17 =	simm.s32 $0x4880  }
0x8: {  	s18 =	simm.s32 $0x5080;
	s19 =	simm.s32 $0x5880;
	s20 =	simm.s32 $0x6080  }
0x9: {  	s21 =	simm.s32 $0x6880;
	s22 =	simm.s32 $0x7080;
	s23 =	simm.s32 $0x7880  }
0xa: {  	[smem:$0x7FF] =	sst s3;
	s5 =	sand.u32 $0x1, s5;
	s6 =	sshll.u32 s2, $0x1  }
0xb: {  	s24 =	simm.s32 $0x1;
	_ =	strace $0x80000047;
	s6 =	sor.u32 s5, s6  }
0xc: {  	s5 =	ssub.s32 $0x2, s5;
	s7 =	sshll.u32 s6, $0x4;
	s6 =	sshll.u32 s6, $0xC  }
0xd: {  	v2 =	vlaneseq.u32;
	s8 =	sshrl.u32 s5, $0x1;
	s7 =	sadd.s32 s7, s4;
	s6 =	sadd.s32 s6, s4  }
0xe: {  	vm0 =	vmmov $0xffff;
	v1 =	vshrl.u32 v2, $0x3;
	s8 =	ssub.s32 s5, s8;
	s4 =	sadd.s32 $0x2600, s7;
	s5 =	sadd.s32 $0x2800, s6  }
0xf: {  	v0 =	vand.u32 $0x7, v2;
	v2 =	vor.u32 $0x8, v2;
	v1 =	vmul.u32 $0x8, v1;
	s6 =	smax.u32 s8, $0x1;
	s7 =	simm.s32 $0x2;
	s8 =	simm.s32 $0x80  }
.LBB2_1:
0x10: {  	[tilespmem:s3], [sflag:$0x2] =	stream.linear.gather [hbm4b:s4+s3], $0x80, $0x38;
	[tilespmem:$0x8080] =	vst v63  }
0x11: {  	_ =	swait.ge [sflag:s7], $0x80  }
0x12: {  	[sflag:s7] =	ssyncset.done $0x0  }
0x13: {  	[sflag:s7] =	ssyncadd.s32 $0xFFFFFF80  }
0x14: {  	v3 =	vld [tilespmem:$0x0];
	_ =	sdelay $0x4  }
0x15: {  	v4 =	vshll.u32 v3, $0x1  }
0x16: {  	v3 =	vand.u32 $0x7, v3;
	v4 =	vand.u32 $0xFFFFFFF0, v4  }
0x17: {  	v3 =	vor.u32 v3, v4  }
0x18: {  	v4 =	vperm.xlane v3, v0;
	_ =	sdelay $0x1  }
0x19: {  	v3 =	vperm.xlane v3, v2;
	v4 =	vadd.s32 v1, v4;
	_ =	sdelay $0x1  }
0x1a: {  	v3 =	vadd.s32 v1, v3;
	_ =	sdelay $0x2  }
0x1b: {  	[tilespmem:s8], [sflag:$0x1] =	stream.indirect_vreg.gather [hbm4b:s1+s3], $0x80, v4, vm0, $0xb8;
	[tilespmem:$0x8080] =	vst v63  }
0x1c: {  	_ = 	snop  }
0x1d: {  	[tilespmem:s9], [sflag:$0x1] =	stream.indirect_vreg.gather [hbm4b:s1+s3], $0x80, v3, vm0, $0xb8;
	[tilespmem:$0x8080] =	vst v63  }
0x1e: {  	v3 =	vld [tilespmem:$0x10];
	_ =	sdelay $0x4  }
0x1f: {  	v57 =	vshll.u32 v3, $0x1  }
0x20: {  	v3 =	vand.u32 $0x7, v3;
	v4 =	vand.u32 $0xFFFFFFF0, v57  }
0x21: {  	v3 =	vor.u32 v3, v4  }
0x22: {  	v4 =	vperm.xlane v3, v0;
	_ =	sdelay $0x1  }
0x23: {  	v3 =	vperm.xlane v3, v2;
	v4 =	vadd.s32 v1, v4;
	_ =	sdelay $0x1  }
0x24: {  	v3 =	vadd.s32 v1, v3;
	_ =	sdelay $0x2  }
0x25: {  	[tilespmem:s10], [sflag:$0x1] =	stream.indirect_vreg.gather [hbm4b:s1+s3], $0x80, v4, vm0, $0xb8;
	[tilespmem:$0x8080] =	vst v63  }
0x26: {  	_ = 	snop  }
0x27: {  	[tilespmem:s11], [sflag:$0x1] =	stream.indirect_vreg.gather [hbm4b:s1+s3], $0x80, v3, vm0, $0xb8;
	[tilespmem:$0x8080] =	vst v63  }
0x28: {  	v3 =	vld [tilespmem:$0x20];
	_ =	sdelay $0x4  }
0x29: {  	v58 =	vshll.u32 v3, $0x1  }
0x2a: {  	v3 =	vand.u32 $0x7, v3;
	v4 =	vand.u32 $0xFFFFFFF0, v58  }
0x2b: {  	v3 =	vor.u32 v3, v4  }
0x2c: {  	v4 =	vperm.xlane v3, v0;
	_ =	sdelay $0x1  }
0x2d: {  	v3 =	vperm.xlane v3, v2;
	v4 =	vadd.s32 v1, v4;
	_ =	sdelay $0x1  }
0x2e: {  	v3 =	vadd.s32 v1, v3;
	_ =	sdelay $0x2  }
0x2f: {  	[tilespmem:s12], [sflag:$0x1] =	stream.indirect_vreg.gather [hbm4b:s1+s3], $0x80, v4, vm0, $0xb8;
	[tilespmem:$0x8080] =	vst v63  }
0x30: {  	_ = 	snop  }
0x31: {  	[tilespmem:s13], [sflag:$0x1] =	stream.indirect_vreg.gather [hbm4b:s1+s3], $0x80, v3, vm0, $0xb8;
	[tilespmem:$0x8080] =	vst v63  }
0x32: {  	v3 =	vld [tilespmem:$0x30];
	_ =	sdelay $0x4  }
0x33: {  	v59 =	vshll.u32 v3, $0x1  }
0x34: {  	v3 =	vand.u32 $0x7, v3;
	v4 =	vand.u32 $0xFFFFFFF0, v59  }
0x35: {  	v3 =	vor.u32 v3, v4  }
0x36: {  	v4 =	vperm.xlane v3, v0;
	_ =	sdelay $0x1  }
0x37: {  	v3 =	vperm.xlane v3, v2;
	v4 =	vadd.s32 v1, v4;
	_ =	sdelay $0x1  }
0x38: {  	v3 =	vadd.s32 v1, v3;
	_ =	sdelay $0x2  }
0x39: {  	[tilespmem:s14], [sflag:$0x1] =	stream.indirect_vreg.gather [hbm4b:s1+s3], $0x80, v4, vm0, $0xb8;
	[tilespmem:$0x8080] =	vst v63  }
0x3a: {  	_ = 	snop  }
0x3b: {  	[tilespmem:s15], [sflag:$0x1] =	stream.indirect_vreg.gather [hbm4b:s1+s3], $0x80, v3, vm0, $0xb8;
	[tilespmem:$0x8080] =	vst v63  }
0x3c: {  	v3 =	vld [tilespmem:$0x40];
	_ =	sdelay $0x4  }
0x3d: {  	v60 =	vshll.u32 v3, $0x1  }
0x3e: {  	v3 =	vand.u32 $0x7, v3;
	v4 =	vand.u32 $0xFFFFFFF0, v60  }
0x3f: {  	v3 =	vor.u32 v3, v4  }
0x40: {  	v4 =	vperm.xlane v3, v0;
	_ =	sdelay $0x1  }
0x41: {  	v3 =	vperm.xlane v3, v2;
	v4 =	vadd.s32 v1, v4;
	_ =	sdelay $0x1  }
0x42: {  	v3 =	vadd.s32 v1, v3;
	_ =	sdelay $0x2  }
0x43: {  	[tilespmem:s16], [sflag:$0x1] =	stream.indirect_vreg.gather [hbm4b:s1+s3], $0x80, v4, vm0, $0xb8;
	[tilespmem:$0x8080] =	vst v63  }
0x44: {  	_ = 	snop  }
0x45: {  	[tilespmem:s17], [sflag:$0x1] =	stream.indirect_vreg.gather [hbm4b:s1+s3], $0x80, v3, vm0, $0xb8;
	[tilespmem:$0x8080] =	vst v63  }
0x46: {  	v3 =	vld [tilespmem:$0x50];
	_ =	sdelay $0x4  }
0x47: {  	v61 =	vshll.u32 v3, $0x1  }
0x48: {  	v3 =	vand.u32 $0x7, v3;
	v4 =	vand.u32 $0xFFFFFFF0, v61  }
0x49: {  	v3 =	vor.u32 v3, v4  }
0x4a: {  	v4 =	vperm.xlane v3, v0;
	_ =	sdelay $0x1  }
0x4b: {  	v3 =	vperm.xlane v3, v2;
	v4 =	vadd.s32 v1, v4;
	_ =	sdelay $0x1  }
0x4c: {  	v3 =	vadd.s32 v1, v3;
	_ =	sdelay $0x2  }
0x4d: {  	[tilespmem:s18], [sflag:$0x1] =	stream.indirect_vreg.gather [hbm4b:s1+s3], $0x80, v4, vm0, $0xb8;
	[tilespmem:$0x8080] =	vst v63  }
0x4e: {  	_ = 	snop  }
0x4f: {  	[tilespmem:s19], [sflag:$0x1] =	stream.indirect_vreg.gather [hbm4b:s1+s3], $0x80, v3, vm0, $0xb8;
	[tilespmem:$0x8080] =	vst v63  }
0x50: {  	v3 =	vld [tilespmem:$0x60];
	_ =	sdelay $0x4  }
0x51: {  	v62 =	vshll.u32 v3, $0x1  }
0x52: {  	v3 =	vand.u32 $0x7, v3;
	v4 =	vand.u32 $0xFFFFFFF0, v62  }
0x53: {  	v3 =	vor.u32 v3, v4  }
0x54: {  	v4 =	vperm.xlane v3, v0;
	_ =	sdelay $0x1  }
0x55: {  	v3 =	vperm.xlane v3, v2;
	v4 =	vadd.s32 v1, v4;
	_ =	sdelay $0x1  }
0x56: {  	v3 =	vadd.s32 v1, v3;
	_ =	sdelay $0x2  }
0x57: {  	[tilespmem:s20], [sflag:$0x1] =	stream.indirect_vreg.gather [hbm4b:s1+s3], $0x80, v4, vm0, $0xb8;
	[tilespmem:$0x8080] =	vst v63  }
0x58: {  	_ = 	snop  }
0x59: {  	[tilespmem:s21], [sflag:$0x1] =	stream.indirect_vreg.gather [hbm4b:s1+s3], $0x80, v3, vm0, $0xb8;
	[tilespmem:$0x8080] =	vst v63  }
0x5a: {  	v3 =	vld [tilespmem:$0x70];
	_ =	sdelay $0x4  }
0x5b: {  	v63 =	vshll.u32 v3, $0x1  }
0x5c: {  	v3 =	vand.u32 $0x7, v3;
	v4 =	vand.u32 $0xFFFFFFF0, v63  }
0x5d: {  	v3 =	vor.u32 v3, v4  }
0x5e: {  	v4 =	vperm.xlane v3, v0;
	_ =	sdelay $0x1  }
0x5f: {  	v3 =	vperm.xlane v3, v2;
	v4 =	vadd.s32 v1, v4;
	_ =	sdelay $0x1  }
0x60: {  	v3 =	vadd.s32 v1, v3;
	_ =	sdelay $0x2  }
0x61: {  	[tilespmem:s22], [sflag:$0x1] =	stream.indirect_vreg.gather [hbm4b:s1+s3], $0x80, v4, vm0, $0xb8;
	[tilespmem:$0x8080] =	vst v63  }
0x62: {  	_ = 	snop  }
0x63: {  	[tilespmem:s23], [sflag:$0x1] =	stream.indirect_vreg.gather [hbm4b:s1+s3], $0x80, v3, vm0, $0xb8;
	[tilespmem:$0x8080] =	vst v63  }
0x64: {  	_ =	swait.ge [sflag:s24], $0x8000  }
0x65: {  	p0 =	sne.s32 s6, $0x1;
	[sflag:s24] =	ssyncset.done $0x0  }
.Ltmp0:
0x66: {  	[sflag:s24] =	ssyncadd.s32 $0xFFFF8000;
	(pc) =	sbr.rel @p0 .LBB2_1-.Ltmp0, $4  }
0x67: {  	[hbm4b:s5+s3] =	stream.linear.scatter [tilespmem:s8], [sflag:$0x2], $0x8000, $0x38;
	[tilespmem:$0x8080] =	vst v63  }
0x68: {  	_ =	swait.ge [sflag:s7], $0x8000  }
0x69: {  	[sflag:s7] =	ssyncset.done $0x0  }
0x6a: {  	s6 =	sadd.s32 $0xFFFFFFFF, s6;
	[sflag:s7] =	ssyncadd.s32 $0xFFFF8000  }
0x6b: {  	_ =	sfence.sel $0x180000  }
0x6c: {  	[bflag:$0x0] =	sbarrier.arrive $0xFFFF  }
0x6d: {  	p0 =	sne.s32 s2, $0x0;
	_ =	strace $0x90000047  }
0x6e: {  	s0 =	sadd.s32 @!p0 $0x100000, s0;
	[bflag:$0x2] =	sbarrier.arrive $0xFFFF  }
0x6f: {  	[sflag:s0] =	ssyncadd.tile.s32 @!p0 $0x1;
	_ =	shalt  }
.Lfunc_end2:
_tile_overlayer_lowered:
.L_overlay_start_2:
0x70: {  	(tag) =	ssettag $0x2  }
0x71: {  	s0 =	rddreg [dreg:$0x0];
	s2 =	stileid.u32  }
0x72: {  	s1 =	rddreg [dreg:$0x1];
	p0 =	sne.s32 s2, $0x0  }
0x73: {  	s3 =	rddreg [dreg:$0x2];
	[bflag:$0x3] =	sbarrier.arrive $0xFFFF;
	s2 =	simm.s32 @!p0 $0x1C02  }
0x74: {  	[timem:s3], [sflag:s2] =	dma.local @!p0 [hbm:s0], s1  }
0x75: {  	s0 =	simm.s32 @!p0 $0x2  }
0x76: {  	_ =	swait.ge @!p0 [sflag:s0], s1  }
0x77: {  	s1 =	ssub.s32 @!p0 $0x0, s1;
	[sflag:s0] =	ssyncset.done @!p0 $0x0  }
0x78: {  	[sflag:s0] =	ssyncadd.s32 @!p0 s1  }
0x79: {  	[bflag:$0x3] =	sbarrier.arrive $0xFFFF  }
0x7a: {  	_ =	shalt  }

// kernel: kernel.9.cloned.1.call-start
scs
__scs_entry_jumppad:
0x0: {  	(pc) =	sbr.rel $0x88, $3  }
0x1: {  	(tag) =	ssettag $0x0;
	lr =	simm.s32 $0x1  }
0x2: {  	[smem:$0x3F9F] =	sst lr;
	_ =	strace $0xD0000000  }
0x3: {  	_ = 	snop  }
0x4: {  	_ = 	snop  }
0x5: {  	_ = 	snop  }
0x6: {  	_ = 	snop  }
0x7: {  	_ = 	snop  }
__scs_overlays_trampoline_lowered:
0x8: {  	[smem:$0x3FAE] =	sst s0  }
0x9: {  	[smem:$0x3FAF] =	sst s1  }
0xa: {  	[smem:$0x3FB0] =	sst s2  }
0xb: {  	[smem:$0x3FB1] =	sst s3  }
0xc: {  	[smem:$0x3FB2] =	sst s4  }
0xd: {  	[smem:$0x3FB3] =	sst s5  }
0xe: {  	[smem:$0x3FB4] =	sst s6  }
0xf: {  	[smem:$0x3FB5] =	sst s7  }
0x10: {  	[smem:$0x3FB6] =	sst s8  }
0x11: {  	[smem:$0x3FB7] =	sst s9;
	s0 =	simm.s32 @!p0 $0x0  }
0x12: {  	s1 =	sld [smem:$0x3F9D];
	s0 =	simm.s32 @p0 $0x1  }
0x13: {  	[smem:$0x3FB8] =	sst s0;
	s0 =	simm.s32 @!p1 $0x0  }
0x14: {  	s2 =	sld [smem:$0x3F9C];
	s0 =	simm.s32 @p1 $0x1  }
0x15: {  	[smem:$0x3FB9] =	sst s0;
	s0 =	simm.s32 @!p2 $0x0  }
0x16: {  	s3 =	sld [smem:$0x3FDB];
	s0 =	simm.s32 @p2 $0x1  }
0x17: {  	s4 =	simm.s32 $0x1BF5;
	[smem:$0x3FBB] =	sst s0  }
0x18: {  	s0 =	sld [smem:$0x3F9E];
	_ =	swait.ge [sflag:s4], $0x0  }
0x19: {  	s7 =	sld [smem:$0x3F9F]  }
0x1a: {  	s8 =	sadd.s32 $0xFFFFE003, lr  }
0x1b: {  	s9 =	sadd.s32 $0xFFFFFEF7, lr;
	s5 =	simm.s32 $0xFFFFFFFF;
	p2 =	slt.u32 s8, $0xFFFFF086  }
0x1c: {  	p1 =	slt.u32 s9, $0xF7A;
	s5 =	simm.s32 @!p2 $0x0  }
0x1d: {  	s5 =	simm.s32 @p1 $0x1;
	p0 =	seq.s32 s7, s2  }
0x1e: {  	s7 =	smul.u32 @!p0 $0xF7A, s2;
	p2 =	seq.s32 @!p0 s5, $0x0  }
0x1f: {  	s9 =	smul.u32 $0xF7A, s1;
	s8 =	simm.s32 @!p0 $0x1BF5;
	p2 =	por !p2, p0  }
0x20: {  	[sflag:s8] =	ssyncset.s32 @!p0 $0xFFFFF086;
	s6 =	sadd.s32 @!p0 s3, s7;
	s7 =	simm.s32 @!p0 $0x108  }
0x21: {  	s3 =	sadd.s32 s3, s9;
	s6 =	sadd.s32 @!p0 $0x88, s6;
	s7 =	simm.s32 @p2 $0x1082  }
0x22: {  	[simem:s7], [sflag:s8] =	dma.local @!p0 [hbm:s6], $0xF7A  }
0x23: {  	s9 =	sor.u32 $0xD0000000, s2;
	s6 =	simm.s32 $0x108;
	_ =	swait.ge @!p0 [sflag:s8], $0x0  }
0x24: {  	s3 =	sadd.s32 $0x88, s3;
	s6 =	simm.s32 @!p1 $0x1082;
	[sflag:s4] =	ssyncset.s32 $0xFFFFF086  }
0x25: {  	[simem:s6], [sflag:s4] =	dma.local [hbm:s3], $0xF7A  }
0x26: {  	[smem:$0x3F9F] =	sst s1;
	(tag) =	ssettag s2;
	_ =	strace s9  }
0x27: {  	s1 =	sld [smem:$0x3FAF]  }
0x28: {  	s2 =	sld [smem:$0x3FB0]  }
0x29: {  	s4 =	sld [smem:$0x3FB2]  }
0x2a: {  	p0 =	seq.s32 s5, $0x0;
	s5 =	sld [smem:$0x3FB3]  }
0x2b: {  	s6 =	sld [smem:$0x3FB4]  }
0x2c: {  	s7 =	sld [smem:$0x3FB5]  }
0x2d: {  	s3 =	simm.s32 $0x108;
	s8 =	sld [smem:$0x3FB6]  }
0x2e: {  	s3 =	simm.s32 @!p0 $0x1082;
	s9 =	sld [smem:$0x3FB7]  }
0x2f: {  	lr =	sadd.s32 s0, s3;
	s0 =	sld [smem:$0x3FAE]  }
0x30: {  	s3 =	sld [smem:$0x3FB1]  }
0x31: {  	[smem:$0x3FBA] =	sst s10  }
0x32: {  	s10 =	sld [smem:$0x3FB8];
	_ =	sdelay $0x3  }
0x33: {  	p0 =	seq.s32 s10, $0x1;
	s10 =	sld [smem:$0x3FBA];
	_ =	sdelay $0x3  }
0x34: {  	[smem:$0x3FBA] =	sst s10  }
0x35: {  	s10 =	sld [smem:$0x3FB9];
	_ =	sdelay $0x3  }
0x36: {  	p1 =	seq.s32 s10, $0x1;
	s10 =	sld [smem:$0x3FBA];
	_ =	sdelay $0x3  }
0x37: {  	[smem:$0x3FBA] =	sst s10  }
0x38: {  	s10 =	sld [smem:$0x3FBB]  }
0x39: {  	_ = 	snop;
	(pc) =	sbr.ind lr, $3  }
0x3a: {  	_ = 	snop  }
0x3b: {  	_ = 	snop  }
0x3c: {  	p2 =	seq.s32 s10, $0x1;
	s10 =	sld [smem:$0x3FBA]  }
0x3d: {  	_ =	shalt  }
0x3e: {  	_ =	shalt  }
0x3f: {  	_ =	shalt  }
0x40: {  	_ =	shalt  }
0x41: {  	_ =	shalt  }
0x42: {  	_ =	shalt  }
0x43: {  	_ =	shalt  }
0x44: {  	_ =	shalt  }
0x45: {  	_ =	shalt  }
0x46: {  	_ =	shalt  }
0x47: {  	_ =	shalt  }
0x48: {  	_ =	shalt  }
0x49: {  	_ =	shalt  }
0x4a: {  	_ =	shalt  }
0x4b: {  	_ =	shalt  }
0x4c: {  	_ =	shalt  }
0x4d: {  	_ =	shalt  }
0x4e: {  	_ =	shalt  }
0x4f: {  	_ =	shalt  }
0x50: {  	_ =	shalt  }
0x51: {  	_ =	shalt  }
0x52: {  	_ =	shalt  }
0x53: {  	_ =	shalt  }
0x54: {  	_ =	shalt  }
0x55: {  	_ =	shalt  }
0x56: {  	_ =	shalt  }
0x57: {  	_ =	shalt  }
0x58: {  	_ =	shalt  }
0x59: {  	_ =	shalt  }
0x5a: {  	_ =	shalt  }
0x5b: {  	_ =	shalt  }
0x5c: {  	_ =	shalt  }
0x5d: {  	_ =	shalt  }
0x5e: {  	_ =	shalt  }
0x5f: {  	_ =	shalt  }
0x60: {  	_ =	shalt  }
0x61: {  	_ =	shalt  }
0x62: {  	_ =	shalt  }
0x63: {  	_ =	shalt  }
0x64: {  	_ =	shalt  }
0x65: {  	_ =	shalt  }
0x66: {  	_ =	shalt  }
0x67: {  	_ =	shalt  }
0x68: {  	_ =	shalt  }
0x69: {  	_ =	shalt  }
0x6a: {  	_ =	shalt  }
0x6b: {  	_ =	shalt  }
0x6c: {  	_ =	shalt  }
0x6d: {  	_ =	shalt  }
0x6e: {  	_ =	shalt  }
0x6f: {  	_ =	shalt  }
0x70: {  	_ =	shalt  }
0x71: {  	_ =	shalt  }
0x72: {  	_ =	shalt  }
0x73: {  	_ =	shalt  }
0x74: {  	_ =	shalt  }
0x75: {  	_ =	shalt  }
0x76: {  	_ =	shalt  }
0x77: {  	_ =	shalt  }
0x78: {  	_ =	shalt  }
0x79: {  	_ =	shalt  }
0x7a: {  	_ =	shalt  }
0x7b: {  	_ =	shalt  }
0x7c: {  	_ =	shalt  }
0x7d: {  	_ =	shalt  }
0x7e: {  	_ =	shalt  }
0x7f: {  	_ =	shalt  }
0x80: {  	_ =	shalt  }
0x81: {  	_ =	shalt  }
0x82: {  	_ =	shalt  }
0x83: {  	_ =	shalt  }
0x84: {  	_ =	shalt  }
0x85: {  	_ =	shalt  }
0x86: {  	_ =	shalt  }
0x87: {  	_ =	shalt  }
.Lfunc_end0:
.L_simem_size_0:
called_computation.1_lowered:
.L_overlay_start_0:
0x88: {  	s2 =	sld [smem:$0x3FD9]  }
0x89: {  	s3 =	sld [smem:$0x3FFE];
	_ =	sdelay $0x1  }
0x8a: {  	s1 =	srdreg.scid  }
0x8b: {  	s0 =	sand.u32 $0x1, s1  }
0x8c: {  	s15 =	sshll.u32 s0, $0xA;
	s2 =	sadd.s32 s3, s2  }
0x8d: {  	s2 =	sadd.s32 s2, s15  }
0x8e: {  	[smem:$0x3FC6] =	sst s2  }
0x8f: {  	_ = 	snop  }
0x90: {  	s16 =	sld [smem:$0x3FD0];
	_ =	sdelay $0x2  }
0x91: {  	s4 =	simm.s32 $0xB;
	s5 =	simm.s32 $0x10;
	s2 =	sld [smem:$0x3FC8]  }
0x92: {  	[smem:s5], [sflag:s4] =	dma.local [hbm:s16], $0x1  }
0x93: {  	_ =	swait.eq [sflag:s4], $0x1  }
0x94: {  	[sflag:s4] =	ssyncset.done $0x0  }
0x95: {  	[sflag:s4] =	ssyncadd.s32 $0xFFFFFFFF  }
0x96: {  	s17 =	sld [smem:$0x10];
	(tm) =	ssettm $0x1  }
0x97: {  	s18 =	sld [smem:$0x3FFB];
	_ =	sdelay $0x3  }
0x98: {  	_ =	strace s18  }
0x99: {  	s3 =	sld [smem:$0x3FFC];
	_ =	sdelay $0x3  }
0x9a: {  	_ =	strace s3  }
0x9b: {  	s3 =	sld [smem:$0x3FFD];
	_ =	sdelay $0x3  }
0x9c: {  	_ =	strace s3  }
0x9d: {  	_ =	strace $0x8FFFFFFF  }
0x9e: {  	s19 =	sld [smem:$0x3FDB];
	_ =	sdelay $0x1  }
0x9f: {  	s20 =	simm.s32 $_scs_section_size  }
0xa0: {  	s6 =	simm.s32 $_size__tile_overlayer_lowered;
	s7 =	simm.s32 $_tile_overlayer_lowered  }
0xa1: {  	s8 =	simm.s32 $0x1BFF;
	s21 =	sshll.u32 s7, $0x1;
	s5 =	sadd.s32 s20, s19  }
0xa2: {  	s22 =	simm.s32 $0x0;
	s6 =	sshll.u32 s6, $0x1;
	s7 =	sadd.s32 s21, s5  }
0xa3: {  	[timem:s22], [sflag:s8] =	dma.local [hbm:s7], s6  }
0xa4: {  	_ =	swait.ge [sflag:s8], s6  }
0xa5: {  	s6 =	ssub.s32 $0x0, s6;
	[sflag:s8] =	ssyncset.done $0x0  }
0xa6: {  	[sflag:s8] =	ssyncadd.s32 s6;
	_ =	sdelay $0x1  }
0xa7: {  	s23 =	simm.s32 $0x1B8B  }
0xa8: {  	_ =	swait.ge [sflag:s23], $0x1  }
0xa9: {  	[sflag:s23] =	ssyncset.done $0x0  }
0xaa: {  	[sflag:s23] =	ssyncadd.s32 $0xFFFFFFFF  }
0xab: {  	s6 =	sld [smem:$0x0]  }
0xac: {  	s7 =	sand.u32 $0xFFFFFFFE, s1  }
0xad: {  	p0 =	sne.s32 s1, s7  }
0xae: {  	s7 =	sshll.u32 @p0 s7, $0xE  }
0xaf: {  	s7 =	sadd.s32 @p0 $0x11B8D, s7;
	s8 =	sshll.u32 @p0 s6, $0x11  }
0xb0: {  	s7 =	sor.u32 @p0 s8, s7  }
0xb1: {  	[sflag:s7] =	ssyncadd.remote.s32 @p0 $0x1;
	_ =	sdelay $0x1  }
0xb2: {  	s7 =	simm.s32 @p0 $0x1B8D  }
0xb3: {  	_ =	swait.eq @p0 [sflag:s7], $0x1  }
0xb4: {  	[sflag:s7] =	ssyncadd.s32 @p0 $0xFFFFFFFF  }
0xb5: {  	s8 =	sshll.u32 @!p0 s1, $0xE  }
0xb6: {  	s8 =	sor.u32 @!p0 $0x4000, s8;
	s7 =	simm.s32 @!p0 $0x1B8D  }
0xb7: {  	s6 =	sshll.u32 @!p0 s6, $0x11;
	s8 =	sadd.s32 @!p0 $0x11B8D, s8;
	_ =	swait.eq @!p0 [sflag:s7], $0x1  }
0xb8: {  	s6 =	sor.u32 @!p0 s6, s8;
	[sflag:s7] =	ssyncadd.s32 @!p0 $0xFFFFFFFF  }
0xb9: {  	s25 =	simm.s32 $0x1B8E;
	s24 =	sld [smem:$0x3FFE];
	[sflag:s6] =	ssyncadd.remote.s32 @!p0 $0x1  }
0xba: {  	s26 =	simm.s32 $execute0_lowered;
	[smem:$0x3FD2] =	sst s25  }
0xbb: {  	s7 =	sshll.u32 s26, $0x1;
	_ =	strace $0x80000049;
	[dreg:$0x1] =	wrdreg $0xFFFFFFFF  }
0xbc: {  	s28 =	simm.s32 $_size_execute0_lowered;
	s5 =	sadd.s32 s5, s7;
	[dreg:$0x0] =	wrdreg $0x0  }
0xbd: {  	s7 =	sshll.u32 s28, $0x1;
	[dreg:$0x2] =	wrdreg s5  }
0xbe: {  	[dreg:$0x3] =	wrdreg s7  }
0xbf: {  	[dreg:$0x4] =	wrdreg $0xC0  }
0xc0: {  	_ =	task [dreg:s22], $0x5FFFF  }
0xc1: {  	[dreg:$0x1] =	wrdreg $0xFFFFFFFF  }
0xc2: {  	[dreg:$0x0] =	wrdreg $0x60  }
0xc3: {  	[dreg:$0x2] =	wrdreg s2  }
0xc4: {  	[dreg:$0x3] =	wrdreg s24  }
0xc5: {  	[dreg:$0x4] =	wrdreg s17  }
0xc6: {  	[dreg:$0x5] =	wrdreg $0xA  }
0xc7: {  	_ =	task.clear_ibuf [dreg:s22], $0x6FFFF;
	_ =	strace $0x90000049  }
0xc8: {  	s29 =	simm.s32 $0xA;
	_ =	strace $0x8000004B  }
0xc9: {  	_ =	swait.ge [sflag:s29], $0x1  }
0xca: {  	[sflag:s29] =	ssyncadd.s32 $0xFFFFFFFF  }
0xcb: {  	_ =	strace $0x9000004B  }
0xcc: {  	_ =	sfence  }
0xcd: {  	s30 =	sld [smem:$0x0];
	_ =	sdelay $0x2  }
0xce: {  	s31 =	sshll.u32 s1, $0xD;
	s1 =	sshrl.u32 s1, $0x2  }
0xcf: {  	s4 =	sand.u32 $0x4000, s31;
	s1 =	sadd.s32 s1, s30  }
0xd0: {  	s0 =	sor.u32 s4, s0;
	s1 =	sshll.u32 s1, $0x11  }
0xd1: {  	s0 =	sor.u32 s1, s0  }
0xd2: {  	s0 =	sadd.s32 $0x8F2B, s0  }
0xd3: {  	[sflag:s0] =	ssyncadd.remote.s32 $0x1  }
0xd4: {  	_ =	sfence.sel $0xFFFF  }
0xd5: {  	[dreg:$0x0] =	wrdreg $0xFFFFFFFF;
	(pc) =	sbr.abs _section_cstart, $3  }
0xd6: {  	[dreg:$0x1] =	wrdreg $0xFFFFFFFF  }
0xd7: {  	_ =	task.clear_ibuf [dreg:s22], $0x2FFFF;
	_ =	strace $0x9FFFFFFF  }
0xd8: {  	(tm) =	ssettm $0x7FFFFFFF  }
0xd9: {  	_ =	shalt  }
tec
execute0_lowered:
.L_overlay_start_1:
0x0: {  	(tag) =	ssettag $0x1  }
0x1: {  	s1 =	rddreg [dreg:$0x0]  }
0x2: {  	s4 =	rddreg [dreg:$0x1]  }
0x3: {  	s5 =	rddreg [dreg:$0x2]  }
0x4: {  	s0 =	rddreg [dreg:$0x3]  }
0x5: {  	s6 =	srdreg.scid;
	s2 =	stileid.u32  }
0x6: {  	s3 =	simm.s32 $0x0;
	s10 =	simm.s32 $0x1080;
	s11 =	simm.s32 $0x1880  }
0x7: {  	s12 =	simm.s32 $0x2080;
	s13 =	simm.s32 $0x2880;
	s14 =	simm.s32 $0x3080  }
0x8: {  	s15 =	simm.s32 $0x3880;
	s16 =	simm.s32 $0x4080;
	s17 =	simm.s32 $0x4880  }
0x9: {  	s18 =	simm.s32 $0x5080;
	s19 =	simm.s32 $0x5880;
	s20 =	simm.s32 $0x6080  }
0xa: {  	s21 =	simm.s32 $0x6880;
	s22 =	simm.s32 $0x7080;
	s23 =	simm.s32 $0x7880  }
0xb: {  	s24 =	simm.s32 $0x1;
	s6 =	sand.u32 $0x1, s6;
	s7 =	sshll.u32 s2, $0x1  }
0xc: {  	[smem:$0x7FF] =	sst s3;
	s7 =	sor.u32 s6, s7;
	s6 =	ssub.s32 $0x2, s6  }
0xd: {  	_ =	strace $0x8000004A;
	s8 =	sshll.u32 s7, $0x4;
	s9 =	sshrl.u32 s6, $0x1  }
0xe: {  	v2 =	vlaneseq.u32;
	s7 =	sshll.u32 s7, $0xC;
	s4 =	sadd.s32 s8, s4;
	s6 =	ssub.s32 s6, s9  }
0xf: {  	vm0 =	vmmov $0xffff;
	v1 =	vshrl.u32 v2, $0x3;
	s5 =	sadd.s32 s5, s7;
	s7 =	simm.s32 $0x2;
	s8 =	simm.s32 $0x80  }
0x10: {  	v0 =	vand.u32 $0x7, v2;
	v2 =	vor.u32 $0x8, v2;
	v1 =	vmul.u32 $0x8, v1;
	s9 =	simm.s32 $0x880;
	s4 =	sadd.s32 $0x22800, s4;
	s6 =	smax.u32 s6, $0x1  }
.LBB2_1:
0x11: {  	[tilespmem:s3], [sflag:$0x2] =	stream.linear.gather [hbm4b:s4+s3], $0x80, $0x38;
	[tilespmem:$0x8080] =	vst v63  }
0x12: {  	_ =	swait.ge [sflag:s7], $0x80  }
0x13: {  	[sflag:s7] =	ssyncset.done $0x0  }
0x14: {  	[sflag:s7] =	ssyncadd.s32 $0xFFFFFF80  }
0x15: {  	v3 =	vld [tilespmem:$0x0];
	_ =	sdelay $0x4  }
0x16: {  	v4 =	vshll.u32 v3, $0x1  }
0x17: {  	v3 =	vand.u32 $0x7, v3;
	v4 =	vand.u32 $0xFFFFFFF0, v4  }
0x18: {  	v3 =	vor.u32 v3, v4  }
0x19: {  	v4 =	vperm.xlane v3, v0;
	_ =	sdelay $0x1  }
0x1a: {  	v3 =	vperm.xlane v3, v2;
	v4 =	vadd.s32 v1, v4;
	_ =	sdelay $0x1  }
0x1b: {  	v3 =	vadd.s32 v1, v3;
	_ =	sdelay $0x2  }
0x1c: {  	[tilespmem:s8], [sflag:$0x1] =	stream.indirect_vreg.gather [hbm4b:s1+s3], $0x80, v4, vm0, $0xb8;
	[tilespmem:$0x8080] =	vst v63  }
0x1d: {  	_ = 	snop  }
0x1e: {  	[tilespmem:s9], [sflag:$0x1] =	stream.indirect_vreg.gather [hbm4b:s1+s3], $0x80, v3, vm0, $0xb8;
	[tilespmem:$0x8080] =	vst v63  }
0x1f: {  	v3 =	vld [tilespmem:$0x10];
	_ =	sdelay $0x4  }
0x20: {  	v57 =	vshll.u32 v3, $0x1  }
0x21: {  	v3 =	vand.u32 $0x7, v3;
	v4 =	vand.u32 $0xFFFFFFF0, v57  }
0x22: {  	v3 =	vor.u32 v3, v4  }
0x23: {  	v4 =	vperm.xlane v3, v0;
	_ =	sdelay $0x1  }
0x24: {  	v3 =	vperm.xlane v3, v2;
	v4 =	vadd.s32 v1, v4;
	_ =	sdelay $0x1  }
0x25: {  	v3 =	vadd.s32 v1, v3;
	_ =	sdelay $0x2  }
0x26: {  	[tilespmem:s10], [sflag:$0x1] =	stream.indirect_vreg.gather [hbm4b:s1+s3], $0x80, v4, vm0, $0xb8;
	[tilespmem:$0x8080] =	vst v63  }
0x27: {  	_ = 	snop  }
0x28: {  	[tilespmem:s11], [sflag:$0x1] =	stream.indirect_vreg.gather [hbm4b:s1+s3], $0x80, v3, vm0, $0xb8;
	[tilespmem:$0x8080] =	vst v63  }
0x29: {  	v3 =	vld [tilespmem:$0x20];
	_ =	sdelay $0x4  }
0x2a: {  	v58 =	vshll.u32 v3, $0x1  }
0x2b: {  	v3 =	vand.u32 $0x7, v3;
	v4 =	vand.u32 $0xFFFFFFF0, v58  }
0x2c: {  	v3 =	vor.u32 v3, v4  }
0x2d: {  	v4 =	vperm.xlane v3, v0;
	_ =	sdelay $0x1  }
0x2e: {  	v3 =	vperm.xlane v3, v2;
	v4 =	vadd.s32 v1, v4;
	_ =	sdelay $0x1  }
0x2f: {  	v3 =	vadd.s32 v1, v3;
	_ =	sdelay $0x2  }
0x30: {  	[tilespmem:s12], [sflag:$0x1] =	stream.indirect_vreg.gather [hbm4b:s1+s3], $0x80, v4, vm0, $0xb8;
	[tilespmem:$0x8080] =	vst v63  }
0x31: {  	_ = 	snop  }
0x32: {  	[tilespmem:s13], [sflag:$0x1] =	stream.indirect_vreg.gather [hbm4b:s1+s3], $0x80, v3, vm0, $0xb8;
	[tilespmem:$0x8080] =	vst v63  }
0x33: {  	v3 =	vld [tilespmem:$0x30];
	_ =	sdelay $0x4  }
0x34: {  	v59 =	vshll.u32 v3, $0x1  }
0x35: {  	v3 =	vand.u32 $0x7, v3;
	v4 =	vand.u32 $0xFFFFFFF0, v59  }
0x36: {  	v3 =	vor.u32 v3, v4  }
0x37: {  	v4 =	vperm.xlane v3, v0;
	_ =	sdelay $0x1  }
0x38: {  	v3 =	vperm.xlane v3, v2;
	v4 =	vadd.s32 v1, v4;
	_ =	sdelay $0x1  }
0x39: {  	v3 =	vadd.s32 v1, v3;
	_ =	sdelay $0x2  }
0x3a: {  	[tilespmem:s14], [sflag:$0x1] =	stream.indirect_vreg.gather [hbm4b:s1+s3], $0x80, v4, vm0, $0xb8;
	[tilespmem:$0x8080] =	vst v63  }
0x3b: {  	_ = 	snop  }
0x3c: {  	[tilespmem:s15], [sflag:$0x1] =	stream.indirect_vreg.gather [hbm4b:s1+s3], $0x80, v3, vm0, $0xb8;
	[tilespmem:$0x8080] =	vst v63  }
0x3d: {  	v3 =	vld [tilespmem:$0x40];
	_ =	sdelay $0x4  }
0x3e: {  	v60 =	vshll.u32 v3, $0x1  }
0x3f: {  	v3 =	vand.u32 $0x7, v3;
	v4 =	vand.u32 $0xFFFFFFF0, v60  }
0x40: {  	v3 =	vor.u32 v3, v4  }
0x41: {  	v4 =	vperm.xlane v3, v0;
	_ =	sdelay $0x1  }
0x42: {  	v3 =	vperm.xlane v3, v2;
	v4 =	vadd.s32 v1, v4;
	_ =	sdelay $0x1  }
0x43: {  	v3 =	vadd.s32 v1, v3;
	_ =	sdelay $0x2  }
0x44: {  	[tilespmem:s16], [sflag:$0x1] =	stream.indirect_vreg.gather [hbm4b:s1+s3], $0x80, v4, vm0, $0xb8;
	[tilespmem:$0x8080] =	vst v63  }
0x45: {  	_ = 	snop  }
0x46: {  	[tilespmem:s17], [sflag:$0x1] =	stream.indirect_vreg.gather [hbm4b:s1+s3], $0x80, v3, vm0, $0xb8;
	[tilespmem:$0x8080] =	vst v63  }
0x47: {  	v3 =	vld [tilespmem:$0x50];
	_ =	sdelay $0x4  }
0x48: {  	v61 =	vshll.u32 v3, $0x1  }
0x49: {  	v3 =	vand.u32 $0x7, v3;
	v4 =	vand.u32 $0xFFFFFFF0, v61  }
0x4a: {  	v3 =	vor.u32 v3, v4  }
0x4b: {  	v4 =	vperm.xlane v3, v0;
	_ =	sdelay $0x1  }
0x4c: {  	v3 =	vperm.xlane v3, v2;
	v4 =	vadd.s32 v1, v4;
	_ =	sdelay $0x1  }
0x4d: {  	v3 =	vadd.s32 v1, v3;
	_ =	sdelay $0x2  }
0x4e: {  	[tilespmem:s18], [sflag:$0x1] =	stream.indirect_vreg.gather [hbm4b:s1+s3], $0x80, v4, vm0, $0xb8;
	[tilespmem:$0x8080] =	vst v63  }
0x4f: {  	_ = 	snop  }
0x50: {  	[tilespmem:s19], [sflag:$0x1] =	stream.indirect_vreg.gather [hbm4b:s1+s3], $0x80, v3, vm0, $0xb8;
	[tilespmem:$0x8080] =	vst v63  }
0x51: {  	v3 =	vld [tilespmem:$0x60];
	_ =	sdelay $0x4  }
0x52: {  	v62 =	vshll.u32 v3, $0x1  }
0x53: {  	v3 =	vand.u32 $0x7, v3;
	v4 =	vand.u32 $0xFFFFFFF0, v62  }
0x54: {  	v3 =	vor.u32 v3, v4  }
0x55: {  	v4 =	vperm.xlane v3, v0;
	_ =	sdelay $0x1  }
0x56: {  	v3 =	vperm.xlane v3, v2;
	v4 =	vadd.s32 v1, v4;
	_ =	sdelay $0x1  }
0x57: {  	v3 =	vadd.s32 v1, v3;
	_ =	sdelay $0x2  }
0x58: {  	[tilespmem:s20], [sflag:$0x1] =	stream.indirect_vreg.gather [hbm4b:s1+s3], $0x80, v4, vm0, $0xb8;
	[tilespmem:$0x8080] =	vst v63  }
0x59: {  	_ = 	snop  }
0x5a: {  	[tilespmem:s21], [sflag:$0x1] =	stream.indirect_vreg.gather [hbm4b:s1+s3], $0x80, v3, vm0, $0xb8;
	[tilespmem:$0x8080] =	vst v63  }
0x5b: {  	v3 =	vld [tilespmem:$0x70];
	_ =	sdelay $0x4  }
0x5c: {  	v63 =	vshll.u32 v3, $0x1  }
0x5d: {  	v3 =	vand.u32 $0x7, v3;
	v4 =	vand.u32 $0xFFFFFFF0, v63  }
0x5e: {  	v3 =	vor.u32 v3, v4  }
0x5f: {  	v4 =	vperm.xlane v3, v0;
	_ =	sdelay $0x1  }
0x60: {  	v3 =	vperm.xlane v3, v2;
	v4 =	vadd.s32 v1, v4;
	_ =	sdelay $0x1  }
0x61: {  	v3 =	vadd.s32 v1, v3;
	_ =	sdelay $0x2  }
0x62: {  	[tilespmem:s22], [sflag:$0x1] =	stream.indirect_vreg.gather [hbm4b:s1+s3], $0x80, v4, vm0, $0xb8;
	[tilespmem:$0x8080] =	vst v63  }
0x63: {  	_ = 	snop  }
0x64: {  	[tilespmem:s23], [sflag:$0x1] =	stream.indirect_vreg.gather [hbm4b:s1+s3], $0x80, v3, vm0, $0xb8;
	[tilespmem:$0x8080] =	vst v63  }
0x65: {  	_ =	swait.ge [sflag:s24], $0x8000  }
0x66: {  	p0 =	sne.s32 s6, $0x1;
	[sflag:s24] =	ssyncset.done $0x0  }
.Ltmp0:
0x67: {  	[sflag:s24] =	ssyncadd.s32 $0xFFFF8000;
	(pc) =	sbr.rel @p0 .LBB2_1-.Ltmp0, $4  }
0x68: {  	[hbm4b:s5+s3] =	stream.linear.scatter [tilespmem:s8], [sflag:$0x2], $0x8000, $0x38;
	[tilespmem:$0x8080] =	vst v63  }
0x69: {  	_ =	swait.ge [sflag:s7], $0x8000  }
0x6a: {  	[sflag:s7] =	ssyncset.done $0x0  }
0x6b: {  	s6 =	sadd.s32 $0xFFFFFFFF, s6;
	[sflag:s7] =	ssyncadd.s32 $0xFFFF8000  }
0x6c: {  	_ =	sfence.sel $0x180000  }
0x6d: {  	[bflag:$0x0] =	sbarrier.arrive $0xFFFF  }
0x6e: {  	p0 =	sne.s32 s2, $0x0;
	_ =	strace $0x9000004A  }
0x6f: {  	s0 =	sadd.s32 @!p0 $0x100000, s0;
	[bflag:$0x2] =	sbarrier.arrive $0xFFFF  }
0x70: {  	[sflag:s0] =	ssyncadd.tile.s32 @!p0 $0x1;
	_ =	shalt  }
.Lfunc_end2:
_tile_overlayer_lowered:
.L_overlay_start_2:
0x71: {  	(tag) =	ssettag $0x2  }
0x72: {  	s0 =	rddreg [dreg:$0x0];
	s2 =	stileid.u32  }
0x73: {  	s1 =	rddreg [dreg:$0x1];
	p0 =	sne.s32 s2, $0x0  }
0x74: {  	s3 =	rddreg [dreg:$0x2];
	[bflag:$0x3] =	sbarrier.arrive $0xFFFF;
	s2 =	simm.s32 @!p0 $0x1C02  }
0x75: {  	[timem:s3], [sflag:s2] =	dma.local @!p0 [hbm:s0], s1  }
0x76: {  	s0 =	simm.s32 @!p0 $0x2  }
0x77: {  	_ =	swait.ge @!p0 [sflag:s0], s1  }
0x78: {  	s1 =	ssub.s32 @!p0 $0x0, s1;
	[sflag:s0] =	ssyncset.done @!p0 $0x0  }
0x79: {  	[sflag:s0] =	ssyncadd.s32 @!p0 s1  }
0x7a: {  	[bflag:$0x3] =	sbarrier.arrive $0xFFFF  }
0x7b: {  	_ =	shalt  }

</sc_bundles>
